<compile_context>
chip_gen: v7x
topology: tpu7x:2x2x1
jax: 0.10.2.dev20260603
libtpu: 0.0.44.dev20260713+nightly
codegen_flags: <defaults>
</compile_context>

<pallas_src>
import functools

import jax
import jax.numpy as jnp
from jax import lax
from jax.experimental import pallas as pl
from jax.experimental.pallas import tpu as pltpu
from jax.experimental.pallas import tpu_sc as plsc

_B, _S, _D = 16, 2048, 512
_SLOTS = 4
_ROWS = _B * _SLOTS


@functools.partial(
    pl.kernel,
    out_type=jax.ShapeDtypeStruct((_B, _SLOTS * _D), jnp.float32),
    mesh=plsc.VectorSubcoreMesh(core_axis_name="c", subcore_axis_name="s",
                                num_cores=1),
    scratch_types=[
        pltpu.VMEM((16,), jnp.int32),
        pltpu.VMEM((16,), jnp.int32),
        pltpu.VMEM((16,), jnp.int32),
        pltpu.VMEM((16,), jnp.int32),
        pltpu.VMEM((16, _D), jnp.float32),
        pltpu.SemaphoreType.DMA,
        pltpu.SemaphoreType.DMA,
    ],
)
def _encode_sc(ctx_hbm, sb_hbm, sl_hbm, bl_hbm, pad_hbm, out_hbm,
               sl_v, bl_v, tok_v, ridx_v, rows_v, sem0, sem1):
    wid = lax.axis_index("s")
    j = wid % _SLOTS
    q = wid // _SLOTS
    cp_sl = pltpu.async_copy(sl_hbm, sl_v, sem0)
    cp_bl = pltpu.async_copy(bl_hbm, bl_v, sem0)
    cp_pad = pltpu.async_copy(pad_hbm, rows_v.at[8], sem1)
    cp_sl.wait()
    cp_bl.wait()
    lane = lax.iota(jnp.int32, 16)
    is_buf = j == _SLOTS - 1
    length = jnp.where(is_buf, bl_v[...], sl_v[...])
    pos = length + jnp.where(is_buf, -1, j - 3)
    idx = (lane + jnp.where(is_buf, _B, 0)) * _S + jnp.maximum(pos, 0)
    pltpu.async_copy(sb_hbm.at[idx], tok_v, sem0).wait()

    sel = _SLOTS * q + lax.rem(lane, _SLOTS)
    posr = lax.gather(
        pos, sel[:, None],
        lax.GatherDimensionNumbers(offset_dims=(), collapsed_slice_dims=(0,),
                                   start_index_map=(0,)),
        (1,), mode=lax.GatherScatterMode.PROMISE_IN_BOUNDS)
    tokr = lax.gather(
        tok_v[...], sel[:, None],
        lax.GatherDimensionNumbers(offset_dims=(), collapsed_slice_dims=(0,),
                                   start_index_map=(0,)),
        (1,), mode=lax.GatherScatterMode.PROMISE_IN_BOUNDS)
    ridx_v[...] = (_SLOTS * q + lax.rem(lane, _SLOTS)) * _S + tokr
    pltpu.async_copy(ctx_hbm.at[ridx_v.at[pl.ds(0, 8)]],
                     rows_v.at[pl.ds(0, 8)], sem0).wait()
    cp_pad.wait()
    ocps = [pltpu.async_copy(rows_v.at[jnp.where(posr[i] < 0, 8, i)],
                             out_hbm.at[_SLOTS * q + i, pl.ds(j * _D, _D)],
                             sem1)
            for i in range(_SLOTS)]
    for c in ocps:
        c.wait()


def kernel(contextualized_input_batch, stacks, buffers, stack_lengths,
           buffer_lengths, padding):
    ctx = contextualized_input_batch.reshape(_B * _S, _D)
    sb = jnp.concatenate(
        [stacks.astype(jnp.int32), buffers.astype(jnp.int32)], axis=0
    ).reshape(2 * _B * _S)
    sl = stack_lengths.astype(jnp.int32)
    bl = buffer_lengths.astype(jnp.int32)
    return _encode_sc(ctx, sb, sl, bl, padding)

# --- scband reference (transcript-rebuilt; emitter-appended) ---
"""Pipeline reference for scband-static-configuration-encoder-62242666053639 (READ-ONLY COPY).

The authoritative reference and input builder live on the scoring server;
editing this copy changes nothing except your own understanding.
"""

import jax, jax.numpy as jnp
import numpy as np

NUM_STACK = 3
NUM_BUFFER = 1


def get_padded_tensors_for_indices(indices, lengths, contextualized_input_batch, max_length, padding):
    # indices: [B, L] positions into the token sequence
    # lengths: [B] number of valid entries in each indices row
    # Take the last `max_length` valid entries (top of stack / front of buffer),
    # gather the corresponding contextualized token vectors, and pad with the
    # learned `padding` vector where fewer than max_length entries exist.
    B, L = indices.shape
    D = contextualized_input_batch.shape[-1]
    j = jnp.arange(max_length)
    pos = lengths[:, None].astype(jnp.int32) - max_length + j[None, :]  # [B, max_length]
    valid = pos >= 0
    pos_c = jnp.clip(pos, 0, L - 1)
    idx = jnp.take_along_axis(indices, pos_c, axis=1)  # [B, max_length] token positions
    emb = jnp.take_along_axis(contextualized_input_batch, idx[:, :, None], axis=1)  # [B, max_length, D]
    emb = jnp.where(valid[:, :, None], emb, padding[None, None, :])
    return emb.reshape(B, max_length * D)


def setup_inputs(seed: int = 0) -> dict:
    key = jax.random.key(seed)
    k1, k2, k3, k4, k5, k6 = jax.random.split(key, 6)
    B, S, D = 16, 2048, 512
    contextualized_input_batch = jax.random.normal(k1, (B, S, D), dtype=jnp.float32)
    stacks = jax.random.randint(k2, (B, S), 0, S, dtype=jnp.int64)
    buffers = jax.random.randint(k3, (B, S), 0, S, dtype=jnp.int64)
    stack_lengths = jax.random.randint(k4, (B,), 0, S, dtype=jnp.int64)
    buffer_lengths = jax.random.randint(k5, (B,), 0, S, dtype=jnp.int64)
    padding = jax.random.normal(k6, (D,), dtype=jnp.float32)
    return {
        "contextualized_input_batch": contextualized_input_batch,
        "stacks": stacks,
        "buffers": buffers,
        "stack_lengths": stack_lengths,
        "buffer_lengths": buffer_lengths,
        "padding": padding,
    }


def reference(contextualized_input_batch, stacks, buffers, stack_lengths, buffer_lengths, padding):
    stack_batch = get_padded_tensors_for_indices(
        stacks, stack_lengths, contextualized_input_batch, NUM_STACK, padding)
    buffer_batch = get_padded_tensors_for_indices(
        buffers, buffer_lengths, contextualized_input_batch, NUM_BUFFER, padding)
    return jnp.concatenate((stack_batch, buffer_batch), axis=1)

if __name__ == "__main__":
    import jax
    _d = setup_inputs()
    print(jax.jit(kernel)(*tuple(_d.values())))

</pallas_src>

<mosaic_0001>
#map = affine_map<(d0, d1) -> (0, 0)>
#map1 = affine_map<(d0, d1) -> (0)>
module attributes {stable_mosaic.version = 14 : i64} {
  func.func @_encode_sc(%arg0: i32, %arg1: i32, %arg2: memref<32768x512xf32, #tpu.memory_space<hbm>>, %arg3: memref<65536xi32, #tpu.memory_space<hbm>>, %arg4: memref<16xi32, #tpu.memory_space<hbm>>, %arg5: memref<16xi32, #tpu.memory_space<hbm>>, %arg6: memref<512xf32, #tpu.memory_space<hbm>>, %arg7: memref<16x2048xf32, #tpu.memory_space<hbm>>, %arg8: memref<16xi32, #tpu.memory_space<vmem>>, %arg9: memref<16xi32, #tpu.memory_space<vmem>>, %arg10: memref<16xi32, #tpu.memory_space<vmem>>, %arg11: memref<16xi32, #tpu.memory_space<vmem>>, %arg12: memref<16x512xf32, #tpu.memory_space<vmem>>, %arg13: memref<!tpu.dma_semaphore, #tpu.memory_space<semaphore_mem>>, %arg14: memref<!tpu.dma_semaphore, #tpu.memory_space<semaphore_mem>>) attributes {dimension_semantics = [#tpu.dimension_semantics<core_parallel>, #tpu.dimension_semantics<subcore_parallel>], iteration_bounds = array<i64: 1, 16>, scalar_prefetch = 0 : i64, scratch_operands = 7 : i64, tpu.core_type = #tpu.core_type<sc_vector_subcore>, window_params = [{transform_indices = #map}, {transform_indices = #map1}, {transform_indices = #map1}, {transform_indices = #map1}, {transform_indices = #map1}, {transform_indices = #map}]} {
    %jit3A = arith.constant 4 : i32
    %eq3A = arith.constant 0 : i32
    %eq3A_0 = arith.cmpi eq, %jit3A, %eq3A : i32
    %jit3A_1 = arith.constant 1 : i32
    %select_n3A = arith.select %eq3A_0, %jit3A_1, %jit3A : i32
    %rem3A = arith.remsi %arg1, %select_n3A : i32
    %ne3A = arith.constant 0 : i32
    %ne3A_2 = arith.cmpi ne, %rem3A, %ne3A : i32
    %lt3A = arith.constant 0 : i32
    %lt3A_3 = arith.cmpi slt, %rem3A, %lt3A : i32
    %lt3A_4 = arith.constant 0 : i32
    %lt3A_5 = arith.cmpi slt, %select_n3A, %lt3A_4 : i32
    %ne3A_6 = arith.xori %lt3A_3, %lt3A_5 : i1
    %and3A = arith.andi %ne3A_6, %ne3A_2 : i1
    %add3A = arith.addi %rem3A, %select_n3A : i32
    %select_n3A_7 = arith.select %and3A, %add3A, %rem3A : i32
    %jit3A_8 = arith.constant 4 : i32
    %div3A = arith.divsi %arg1, %jit3A_8 : i32
    %sign3A = arith.constant 0 : i32
    %sign3A_9 = arith.cmpi sgt, %arg1, %sign3A : i32
    %sign3A_10 = arith.extui %sign3A_9 : i1 to i32
    %sign3A_11 = arith.constant 0 : i32
    %sign3A_12 = arith.cmpi slt, %arg1, %sign3A_11 : i32
    %sign3A_13 = arith.extui %sign3A_12 : i1 to i32
    %sign3A_14 = arith.subi %sign3A_10, %sign3A_13 : i32
    %sign3A_15 = arith.constant 0 : i32
    %sign3A_16 = arith.cmpi sgt, %jit3A_8, %sign3A_15 : i32
    %sign3A_17 = arith.extui %sign3A_16 : i1 to i32
    %sign3A_18 = arith.constant 0 : i32
    %sign3A_19 = arith.cmpi slt, %jit3A_8, %sign3A_18 : i32
    %sign3A_20 = arith.extui %sign3A_19 : i1 to i32
    %sign3A_21 = arith.subi %sign3A_17, %sign3A_20 : i32
    %ne3A_22 = arith.cmpi ne, %sign3A_14, %sign3A_21 : i32
    %rem3A_23 = arith.remsi %arg1, %jit3A_8 : i32
    %ne3A_24 = arith.constant 0 : i32
    %ne3A_25 = arith.cmpi ne, %rem3A_23, %ne3A_24 : i32
    %and3A_26 = arith.andi %ne3A_22, %ne3A_25 : i1
    %sub3A = arith.constant 1 : i32
    %sub3A_27 = arith.subi %div3A, %sub3A : i32
    %select_n3A_28 = arith.select %and3A_26, %sub3A_27, %div3A : i32
    tpu.enqueue_dma source(%arg4 : memref<16xi32, #tpu.memory_space<hbm>>) target(%arg8 : memref<16xi32, #tpu.memory_space<vmem>>) target_semaphore(%arg13 : memref<!tpu.dma_semaphore, #tpu.memory_space<semaphore_mem>>)
    tpu.enqueue_dma source(%arg5 : memref<16xi32, #tpu.memory_space<hbm>>) target(%arg9 : memref<16xi32, #tpu.memory_space<vmem>>) target_semaphore(%arg13 : memref<!tpu.dma_semaphore, #tpu.memory_space<semaphore_mem>>)
    %dma_start3A = arith.constant 8 : i32
    %dma_start3A_29 = arith.constant 0 : i32
    %dma_start3A_30 = tpu.memref_slice %arg12[%dma_start3A, %dma_start3A_29] : memref<16x512xf32, #tpu.memory_space<vmem>> -> memref<1x512xf32, #tpu.memory_space<vmem>>
    %dma_start3A_31 = tpu.memref_squeeze %dma_start3A_30 : memref<1x512xf32, #tpu.memory_space<vmem>> -> memref<512xf32, #tpu.memory_space<vmem>>
    %dma_start3A_32 = arith.constant 0 : i32
    %dma_start3A_33 = tpu.memref_slice %arg12[%dma_start3A, %dma_start3A_32] : memref<16x512xf32, #tpu.memory_space<vmem>> -> memref<1x512xf32, #tpu.memory_space<vmem>>
    %dma_start3A_34 = tpu.memref_squeeze %dma_start3A_33 : memref<1x512xf32, #tpu.memory_space<vmem>> -> memref<512xf32, #tpu.memory_space<vmem>>
    tpu.enqueue_dma source(%arg6 : memref<512xf32, #tpu.memory_space<hbm>>) target(%dma_start3A_34 : memref<512xf32, #tpu.memory_space<vmem>>) target_semaphore(%arg14 : memref<!tpu.dma_semaphore, #tpu.memory_space<semaphore_mem>>)
    tpu.wait_dma2 semaphore(%arg13 : memref<!tpu.dma_semaphore, #tpu.memory_space<semaphore_mem>>) src(%arg4 : memref<16xi32, #tpu.memory_space<hbm>>) dst(%arg8 : memref<16xi32, #tpu.memory_space<vmem>>)
    tpu.wait_dma2 semaphore(%arg13 : memref<!tpu.dma_semaphore, #tpu.memory_space<semaphore_mem>>) src(%arg5 : memref<16xi32, #tpu.memory_space<hbm>>) dst(%arg9 : memref<16xi32, #tpu.memory_space<vmem>>)
    %iota3A = tpu.iota {dimensions = array<i32: 0>} : vector<16xi32>
    %eq3A_35 = arith.constant 3 : i32
    %eq3A_36 = arith.cmpi eq, %select_n3A_7, %eq3A_35 : i32
    %get3A = arith.constant 0 : index
    %get3A_37 = tpu.vector_load %arg9[%get3A] {strides = array<i32>} : memref<16xi32, #tpu.memory_space<vmem>>, vector<16xi32>,
    %get3A_38 = vector.shape_cast %get3A_37 : vector<16xi32> to vector<16xi32>
    %get3A_39 = arith.constant 0 : index
    %get3A_40 = tpu.vector_load %arg8[%get3A_39] {strides = array<i32>} : memref<16xi32, #tpu.memory_space<vmem>>, vector<16xi32>,
    %get3A_41 = vector.shape_cast %get3A_40 : vector<16xi32> to vector<16xi32>
    %select_n3A_42 = arith.select %eq3A_36, %get3A_38, %get3A_41 : vector<16xi32>
    %sub3A_43 = arith.constant 3 : i32
    %sub3A_44 = arith.subi %select_n3A_7, %sub3A_43 : i32
    %jit3A_45 = arith.constant -1 : i32
    %select_n3A_46 = arith.select %eq3A_36, %jit3A_45, %sub3A_44 : i32
    %add3A_47 = vector.broadcast %select_n3A_46 : i32 to vector<16xi32>
    %add3A_48 = arith.addi %select_n3A_42, %add3A_47 : vector<16xi32>
    %jit3A_49 = arith.constant 16 : i32
    %jit3A_50 = arith.constant 0 : i32
    %select_n3A_51 = arith.select %eq3A_36, %jit3A_49, %jit3A_50 : i32
    %add3A_52 = vector.broadcast %select_n3A_51 : i32 to vector<16xi32>
    %add3A_53 = arith.addi %iota3A, %add3A_52 : vector<16xi32>
    %mul3A = arith.constant 2048 : i32
    %mul3A_54 = vector.broadcast %mul3A : i32 to vector<16xi32>
    %mul3A_55 = arith.muli %add3A_53, %mul3A_54 : vector<16xi32>
    %max3A = arith.constant 0 : i32
    %max3A_56 = vector.broadcast %max3A : i32 to vector<16xi32>
    %max3A_57 = arith.maxsi %add3A_48, %max3A_56 : vector<16xi32>
    %add3A_58 = arith.addi %mul3A_55, %max3A_57 : vector<16xi32>
    %dma_start3A_59 = arith.constant 0 : i32
    %dma_start3A_60 = tpu.memref_slice %arg3[%dma_start3A_59] : memref<65536xi32, #tpu.memory_space<hbm>> -> memref<65536xi32, #tpu.memory_space<hbm>>
    tpu.enqueue_indirect_dma source(%dma_start3A_60 : memref<65536xi32, #tpu.memory_space<hbm>>) target(%arg10 : memref<16xi32, #tpu.memory_space<vmem>>) offsets(%add3A_58 : vector<16xi32>) semaphore(%arg13 : memref<!tpu.dma_semaphore, #tpu.memory_space<semaphore_mem>>)
    %dma_wait3A = arith.constant 0 : i32
    %dma_wait3A_61 = tpu.memref_slice %arg3[%dma_wait3A] : memref<65536xi32, #tpu.memory_space<hbm>> -> memref<65536xi32, #tpu.memory_space<hbm>>
    tpu.wait_indirect_dma semaphore(%arg13 : memref<!tpu.dma_semaphore, #tpu.memory_space<semaphore_mem>>) src(%dma_wait3A_61 : memref<65536xi32, #tpu.memory_space<hbm>>) dst(%arg10 : memref<16xi32, #tpu.memory_space<vmem>>)
    %mul3A_62 = arith.constant 4 : i32
    %mul3A_63 = arith.muli %mul3A_62, %select_n3A_28 : i32
    %rem3A_64 = arith.constant 4 : i32
    %rem3A_65 = vector.broadcast %rem3A_64 : i32 to vector<16xi32>
    %rem3A_66 = arith.remsi %iota3A, %rem3A_65 : vector<16xi32>
    %add3A_67 = vector.broadcast %mul3A_63 : i32 to vector<16xi32>
    %add3A_68 = arith.addi %add3A_67, %rem3A_66 : vector<16xi32>
    %broadcast_in_dim3A = vector.shape_cast %add3A_68 : vector<16xi32> to vector<16x1xi32>
    %gather3A = vector.shape_cast %broadcast_in_dim3A : vector<16x1xi32> to vector<16xi32>
    %gather3A_69 = tpu.dynamic_gather %add3A_48[%gather3A] in [0] : vector<16xi32>, vector<16xi32> -> vector<16xi32>
    %get3A_70 = arith.constant 0 : index
    %get3A_71 = tpu.vector_load %arg10[%get3A_70] {strides = array<i32>} : memref<16xi32, #tpu.memory_space<vmem>>, vector<16xi32>,
    %get3A_72 = vector.shape_cast %get3A_71 : vector<16xi32> to vector<16xi32>
    %broadcast_in_dim3A_73 = vector.shape_cast %add3A_68 : vector<16xi32> to vector<16x1xi32>
    %gather3A_74 = vector.shape_cast %broadcast_in_dim3A_73 : vector<16x1xi32> to vector<16xi32>
    %gather3A_75 = tpu.dynamic_gather %get3A_72[%gather3A_74] in [0] : vector<16xi32>, vector<16xi32> -> vector<16xi32>
    %mul3A_76 = arith.constant 4 : i32
    %mul3A_77 = arith.muli %mul3A_76, %select_n3A_28 : i32
    %rem3A_78 = arith.constant 4 : i32
    %rem3A_79 = vector.broadcast %rem3A_78 : i32 to vector<16xi32>
    %rem3A_80 = arith.remsi %iota3A, %rem3A_79 : vector<16xi32>
    %add3A_81 = vector.broadcast %mul3A_77 : i32 to vector<16xi32>
    %add3A_82 = arith.addi %add3A_81, %rem3A_80 : vector<16xi32>
    %mul3A_83 = arith.constant 2048 : i32
    %mul3A_84 = vector.broadcast %mul3A_83 : i32 to vector<16xi32>
    %mul3A_85 = arith.muli %add3A_82, %mul3A_84 : vector<16xi32>
    %add3A_86 = arith.addi %mul3A_85, %gather3A_75 : vector<16xi32>
    %swap3A = arith.constant 0 : index
    %swap3A_87 = tpu.vector_load %arg11[%swap3A] {strides = array<i32>} : memref<16xi32, #tpu.memory_space<vmem>>, vector<16xi32>,
    %swap3A_88 = vector.shape_cast %swap3A_87 : vector<16xi32> to vector<16xi32>
    %swap3A_89 = vector.shape_cast %add3A_86 : vector<16xi32> to vector<16xi32>
    tpu.vector_store %arg11[%swap3A], %swap3A_89 {strides = array<i32>} : memref<16xi32, #tpu.memory_space<vmem>>, vector<16xi32>,
    %dma_start3A_90 = arith.constant 0 : i32
    %dma_start3A_91 = arith.constant 0 : i32
    %dma_start3A_92 = tpu.memref_slice %arg12[%dma_start3A_90, %dma_start3A_91] : memref<16x512xf32, #tpu.memory_space<vmem>> -> memref<8x512xf32, #tpu.memory_space<vmem>>
    %dma_start3A_93 = arith.constant 0 : i32
    %dma_start3A_94 = tpu.memref_slice %arg11[%dma_start3A_93] : memref<16xi32, #tpu.memory_space<vmem>> -> memref<8xi32, #tpu.memory_space<vmem>>
    %dma_start3A_95 = arith.constant 0 : i32
    %dma_start3A_96 = arith.constant 0 : i32
    %dma_start3A_97 = tpu.memref_slice %arg2[%dma_start3A_95, %dma_start3A_96] : memref<32768x512xf32, #tpu.memory_space<hbm>> -> memref<32768x512xf32, #tpu.memory_space<hbm>>
    tpu.enqueue_indirect_dma source(%dma_start3A_97 : memref<32768x512xf32, #tpu.memory_space<hbm>>) target(%dma_start3A_92 : memref<8x512xf32, #tpu.memory_space<vmem>>) offsets(%dma_start3A_94 : memref<8xi32, #tpu.memory_space<vmem>>) semaphore(%arg13 : memref<!tpu.dma_semaphore, #tpu.memory_space<semaphore_mem>>)
    %dma_wait3A_98 = arith.constant 0 : i32
    %dma_wait3A_99 = arith.constant 0 : i32
    %dma_wait3A_100 = tpu.memref_slice %arg12[%dma_wait3A_98, %dma_wait3A_99] : memref<16x512xf32, #tpu.memory_space<vmem>> -> memref<8x512xf32, #tpu.memory_space<vmem>>
    %dma_wait3A_101 = arith.constant 0 : i32
    %dma_wait3A_102 = tpu.memref_slice %arg11[%dma_wait3A_101] : memref<16xi32, #tpu.memory_space<vmem>> -> memref<8xi32, #tpu.memory_space<vmem>>
    %dma_wait3A_103 = arith.constant 0 : i32
    %dma_wait3A_104 = arith.constant 0 : i32
    %dma_wait3A_105 = tpu.memref_slice %arg2[%dma_wait3A_103, %dma_wait3A_104] : memref<32768x512xf32, #tpu.memory_space<hbm>> -> memref<32768x512xf32, #tpu.memory_space<hbm>>
    tpu.wait_indirect_dma semaphore(%arg13 : memref<!tpu.dma_semaphore, #tpu.memory_space<semaphore_mem>>) src(%dma_wait3A_105 : memref<32768x512xf32, #tpu.memory_space<hbm>>) dst(%dma_wait3A_100 : memref<8x512xf32, #tpu.memory_space<vmem>>)
    %dma_wait3A_106 = arith.constant 8 : i32
    %dma_wait3A_107 = arith.constant 0 : i32
    %dma_wait3A_108 = tpu.memref_slice %arg12[%dma_wait3A_106, %dma_wait3A_107] : memref<16x512xf32, #tpu.memory_space<vmem>> -> memref<1x512xf32, #tpu.memory_space<vmem>>
    %dma_wait3A_109 = tpu.memref_squeeze %dma_wait3A_108 : memref<1x512xf32, #tpu.memory_space<vmem>> -> memref<512xf32, #tpu.memory_space<vmem>>
    %dma_wait3A_110 = arith.constant 0 : i32
    %dma_wait3A_111 = tpu.memref_slice %arg12[%dma_wait3A_106, %dma_wait3A_110] : memref<16x512xf32, #tpu.memory_space<vmem>> -> memref<1x512xf32, #tpu.memory_space<vmem>>
    %dma_wait3A_112 = tpu.memref_squeeze %dma_wait3A_111 : memref<1x512xf32, #tpu.memory_space<vmem>> -> memref<512xf32, #tpu.memory_space<vmem>>
    tpu.wait_dma2 semaphore(%arg14 : memref<!tpu.dma_semaphore, #tpu.memory_space<semaphore_mem>>) src(%arg6 : memref<512xf32, #tpu.memory_space<hbm>>) dst(%dma_wait3A_112 : memref<512xf32, #tpu.memory_space<vmem>>)
    %slice3A = vector.extract_strided_slice %gather3A_69 {offsets = [0], sizes = [1], strides = [1]} : vector<16xi32> to vector<1xi32>
    %squeeze3A = vector.extract %slice3A[0] : i32 from vector<1xi32>
    %lt3A_113 = arith.constant 0 : i32
    %lt3A_114 = arith.cmpi slt, %squeeze3A, %lt3A_113 : i32
    %jit3A_115 = arith.constant 8 : i32
    %jit3A_116 = arith.constant 0 : i32
    %select_n3A_117 = arith.select %lt3A_114, %jit3A_115, %jit3A_116 : i32
    %mul3A_118 = arith.constant 4 : i32
    %mul3A_119 = arith.muli %mul3A_118, %select_n3A_28 : i32
    %add3A_120 = arith.constant 0 : i32
    %add3A_121 = arith.addi %mul3A_119, %add3A_120 : i32
    %mul3A_122 = arith.constant 512 : i32
    %mul3A_123 = arith.muli %select_n3A_7, %mul3A_122 : i32
    %dma_start3A_124 = arith.constant 0 : i32
    %dma_start3A_125 = tpu.memref_slice %arg12[%select_n3A_117, %dma_start3A_124] : memref<16x512xf32, #tpu.memory_space<vmem>> -> memref<1x512xf32, #tpu.memory_space<vmem>>
    %dma_start3A_126 = tpu.memref_squeeze %dma_start3A_125 : memref<1x512xf32, #tpu.memory_space<vmem>> -> memref<512xf32, #tpu.memory_space<vmem>>
    %dma_start3A_127 = tpu.memref_slice %arg7[%add3A_121, %mul3A_123] : memref<16x2048xf32, #tpu.memory_space<hbm>> -> memref<1x512xf32, #tpu.memory_space<hbm>>
    %dma_start3A_128 = tpu.memref_squeeze %dma_start3A_127 : memref<1x512xf32, #tpu.memory_space<hbm>> -> memref<512xf32, #tpu.memory_space<hbm>>
    %dma_start3A_129 = tpu.memref_slice %arg7[%add3A_121, %mul3A_123] : memref<16x2048xf32, #tpu.memory_space<hbm>> -> memref<1x512xf32, #tpu.memory_space<hbm>>
    %dma_start3A_130 = tpu.memref_squeeze %dma_start3A_129 : memref<1x512xf32, #tpu.memory_space<hbm>> -> memref<512xf32, #tpu.memory_space<hbm>>
    %dma_start3A_131 = arith.constant 0 : i32
    %dma_start3A_132 = tpu.memref_slice %arg12[%select_n3A_117, %dma_start3A_131] : memref<16x512xf32, #tpu.memory_space<vmem>> -> memref<1x512xf32, #tpu.memory_space<vmem>>
    %dma_start3A_133 = tpu.memref_squeeze %dma_start3A_132 : memref<1x512xf32, #tpu.memory_space<vmem>> -> memref<512xf32, #tpu.memory_space<vmem>>
    tpu.enqueue_dma source(%dma_start3A_133 : memref<512xf32, #tpu.memory_space<vmem>>) target(%dma_start3A_130 : memref<512xf32, #tpu.memory_space<hbm>>) target_semaphore(%arg14 : memref<!tpu.dma_semaphore, #tpu.memory_space<semaphore_mem>>)
    %slice3A_134 = vector.extract_strided_slice %gather3A_69 {offsets = [1], sizes = [1], strides = [1]} : vector<16xi32> to vector<1xi32>
    %squeeze3A_135 = vector.extract %slice3A_134[0] : i32 from vector<1xi32>
    %lt3A_136 = arith.constant 0 : i32
    %lt3A_137 = arith.cmpi slt, %squeeze3A_135, %lt3A_136 : i32
    %jit3A_138 = arith.constant 8 : i32
    %jit3A_139 = arith.constant 1 : i32
    %select_n3A_140 = arith.select %lt3A_137, %jit3A_138, %jit3A_139 : i32
    %mul3A_141 = arith.constant 4 : i32
    %mul3A_142 = arith.muli %mul3A_141, %select_n3A_28 : i32
    %add3A_143 = arith.constant 1 : i32
    %add3A_144 = arith.addi %mul3A_142, %add3A_143 : i32
    %mul3A_145 = arith.constant 512 : i32
    %mul3A_146 = arith.muli %select_n3A_7, %mul3A_145 : i32
    %dma_start3A_147 = arith.constant 0 : i32
    %dma_start3A_148 = tpu.memref_slice %arg12[%select_n3A_140, %dma_start3A_147] : memref<16x512xf32, #tpu.memory_space<vmem>> -> memref<1x512xf32, #tpu.memory_space<vmem>>
    %dma_start3A_149 = tpu.memref_squeeze %dma_start3A_148 : memref<1x512xf32, #tpu.memory_space<vmem>> -> memref<512xf32, #tpu.memory_space<vmem>>
    %dma_start3A_150 = tpu.memref_slice %arg7[%add3A_144, %mul3A_146] : memref<16x2048xf32, #tpu.memory_space<hbm>> -> memref<1x512xf32, #tpu.memory_space<hbm>>
    %dma_start3A_151 = tpu.memref_squeeze %dma_start3A_150 : memref<1x512xf32, #tpu.memory_space<hbm>> -> memref<512xf32, #tpu.memory_space<hbm>>
    %dma_start3A_152 = tpu.memref_slice %arg7[%add3A_144, %mul3A_146] : memref<16x2048xf32, #tpu.memory_space<hbm>> -> memref<1x512xf32, #tpu.memory_space<hbm>>
    %dma_start3A_153 = tpu.memref_squeeze %dma_start3A_152 : memref<1x512xf32, #tpu.memory_space<hbm>> -> memref<512xf32, #tpu.memory_space<hbm>>
    %dma_start3A_154 = arith.constant 0 : i32
    %dma_start3A_155 = tpu.memref_slice %arg12[%select_n3A_140, %dma_start3A_154] : memref<16x512xf32, #tpu.memory_space<vmem>> -> memref<1x512xf32, #tpu.memory_space<vmem>>
    %dma_start3A_156 = tpu.memref_squeeze %dma_start3A_155 : memref<1x512xf32, #tpu.memory_space<vmem>> -> memref<512xf32, #tpu.memory_space<vmem>>
    tpu.enqueue_dma source(%dma_start3A_156 : memref<512xf32, #tpu.memory_space<vmem>>) target(%dma_start3A_153 : memref<512xf32, #tpu.memory_space<hbm>>) target_semaphore(%arg14 : memref<!tpu.dma_semaphore, #tpu.memory_space<semaphore_mem>>)
    %slice3A_157 = vector.extract_strided_slice %gather3A_69 {offsets = [2], sizes = [1], strides = [1]} : vector<16xi32> to vector<1xi32>
    %squeeze3A_158 = vector.extract %slice3A_157[0] : i32 from vector<1xi32>
    %lt3A_159 = arith.constant 0 : i32
    %lt3A_160 = arith.cmpi slt, %squeeze3A_158, %lt3A_159 : i32
    %jit3A_161 = arith.constant 8 : i32
    %jit3A_162 = arith.constant 2 : i32
    %select_n3A_163 = arith.select %lt3A_160, %jit3A_161, %jit3A_162 : i32
    %mul3A_164 = arith.constant 4 : i32
    %mul3A_165 = arith.muli %mul3A_164, %select_n3A_28 : i32
    %add3A_166 = arith.constant 2 : i32
    %add3A_167 = arith.addi %mul3A_165, %add3A_166 : i32
    %mul3A_168 = arith.constant 512 : i32
    %mul3A_169 = arith.muli %select_n3A_7, %mul3A_168 : i32
    %dma_start3A_170 = arith.constant 0 : i32
    %dma_start3A_171 = tpu.memref_slice %arg12[%select_n3A_163, %dma_start3A_170] : memref<16x512xf32, #tpu.memory_space<vmem>> -> memref<1x512xf32, #tpu.memory_space<vmem>>
    %dma_start3A_172 = tpu.memref_squeeze %dma_start3A_171 : memref<1x512xf32, #tpu.memory_space<vmem>> -> memref<512xf32, #tpu.memory_space<vmem>>
    %dma_start3A_173 = tpu.memref_slice %arg7[%add3A_167, %mul3A_169] : memref<16x2048xf32, #tpu.memory_space<hbm>> -> memref<1x512xf32, #tpu.memory_space<hbm>>
    %dma_start3A_174 = tpu.memref_squeeze %dma_start3A_173 : memref<1x512xf32, #tpu.memory_space<hbm>> -> memref<512xf32, #tpu.memory_space<hbm>>
    %dma_start3A_175 = tpu.memref_slice %arg7[%add3A_167, %mul3A_169] : memref<16x2048xf32, #tpu.memory_space<hbm>> -> memref<1x512xf32, #tpu.memory_space<hbm>>
    %dma_start3A_176 = tpu.memref_squeeze %dma_start3A_175 : memref<1x512xf32, #tpu.memory_space<hbm>> -> memref<512xf32, #tpu.memory_space<hbm>>
    %dma_start3A_177 = arith.constant 0 : i32
    %dma_start3A_178 = tpu.memref_slice %arg12[%select_n3A_163, %dma_start3A_177] : memref<16x512xf32, #tpu.memory_space<vmem>> -> memref<1x512xf32, #tpu.memory_space<vmem>>
    %dma_start3A_179 = tpu.memref_squeeze %dma_start3A_178 : memref<1x512xf32, #tpu.memory_space<vmem>> -> memref<512xf32, #tpu.memory_space<vmem>>
    tpu.enqueue_dma source(%dma_start3A_179 : memref<512xf32, #tpu.memory_space<vmem>>) target(%dma_start3A_176 : memref<512xf32, #tpu.memory_space<hbm>>) target_semaphore(%arg14 : memref<!tpu.dma_semaphore, #tpu.memory_space<semaphore_mem>>)
    %slice3A_180 = vector.extract_strided_slice %gather3A_69 {offsets = [3], sizes = [1], strides = [1]} : vector<16xi32> to vector<1xi32>
    %squeeze3A_181 = vector.extract %slice3A_180[0] : i32 from vector<1xi32>
    %lt3A_182 = arith.constant 0 : i32
    %lt3A_183 = arith.cmpi slt, %squeeze3A_181, %lt3A_182 : i32
    %jit3A_184 = arith.constant 8 : i32
    %jit3A_185 = arith.constant 3 : i32
    %select_n3A_186 = arith.select %lt3A_183, %jit3A_184, %jit3A_185 : i32
    %mul3A_187 = arith.constant 4 : i32
    %mul3A_188 = arith.muli %mul3A_187, %select_n3A_28 : i32
    %add3A_189 = arith.constant 3 : i32
    %add3A_190 = arith.addi %mul3A_188, %add3A_189 : i32
    %mul3A_191 = arith.constant 512 : i32
    %mul3A_192 = arith.muli %select_n3A_7, %mul3A_191 : i32
    %dma_start3A_193 = arith.constant 0 : i32
    %dma_start3A_194 = tpu.memref_slice %arg12[%select_n3A_186, %dma_start3A_193] : memref<16x512xf32, #tpu.memory_space<vmem>> -> memref<1x512xf32, #tpu.memory_space<vmem>>
    %dma_start3A_195 = tpu.memref_squeeze %dma_start3A_194 : memref<1x512xf32, #tpu.memory_space<vmem>> -> memref<512xf32, #tpu.memory_space<vmem>>
    %dma_start3A_196 = tpu.memref_slice %arg7[%add3A_190, %mul3A_192] : memref<16x2048xf32, #tpu.memory_space<hbm>> -> memref<1x512xf32, #tpu.memory_space<hbm>>
    %dma_start3A_197 = tpu.memref_squeeze %dma_start3A_196 : memref<1x512xf32, #tpu.memory_space<hbm>> -> memref<512xf32, #tpu.memory_space<hbm>>
    %dma_start3A_198 = tpu.memref_slice %arg7[%add3A_190, %mul3A_192] : memref<16x2048xf32, #tpu.memory_space<hbm>> -> memref<1x512xf32, #tpu.memory_space<hbm>>
    %dma_start3A_199 = tpu.memref_squeeze %dma_start3A_198 : memref<1x512xf32, #tpu.memory_space<hbm>> -> memref<512xf32, #tpu.memory_space<hbm>>
    %dma_start3A_200 = arith.constant 0 : i32
    %dma_start3A_201 = tpu.memref_slice %arg12[%select_n3A_186, %dma_start3A_200] : memref<16x512xf32, #tpu.memory_space<vmem>> -> memref<1x512xf32, #tpu.memory_space<vmem>>
    %dma_start3A_202 = tpu.memref_squeeze %dma_start3A_201 : memref<1x512xf32, #tpu.memory_space<vmem>> -> memref<512xf32, #tpu.memory_space<vmem>>
    tpu.enqueue_dma source(%dma_start3A_202 : memref<512xf32, #tpu.memory_space<vmem>>) target(%dma_start3A_199 : memref<512xf32, #tpu.memory_space<hbm>>) target_semaphore(%arg14 : memref<!tpu.dma_semaphore, #tpu.memory_space<semaphore_mem>>)
    %dma_wait3A_203 = arith.constant 0 : i32
    %dma_wait3A_204 = tpu.memref_slice %arg12[%select_n3A_117, %dma_wait3A_203] : memref<16x512xf32, #tpu.memory_space<vmem>> -> memref<1x512xf32, #tpu.memory_space<vmem>>
    %dma_wait3A_205 = tpu.memref_squeeze %dma_wait3A_204 : memref<1x512xf32, #tpu.memory_space<vmem>> -> memref<512xf32, #tpu.memory_space<vmem>>
    %dma_wait3A_206 = tpu.memref_slice %arg7[%add3A_121, %mul3A_123] : memref<16x2048xf32, #tpu.memory_space<hbm>> -> memref<1x512xf32, #tpu.memory_space<hbm>>
    %dma_wait3A_207 = tpu.memref_squeeze %dma_wait3A_206 : memref<1x512xf32, #tpu.memory_space<hbm>> -> memref<512xf32, #tpu.memory_space<hbm>>
    %dma_wait3A_208 = tpu.memref_slice %arg7[%add3A_121, %mul3A_123] : memref<16x2048xf32, #tpu.memory_space<hbm>> -> memref<1x512xf32, #tpu.memory_space<hbm>>
    %dma_wait3A_209 = tpu.memref_squeeze %dma_wait3A_208 : memref<1x512xf32, #tpu.memory_space<hbm>> -> memref<512xf32, #tpu.memory_space<hbm>>
    %dma_wait3A_210 = arith.constant 0 : i32
    %dma_wait3A_211 = tpu.memref_slice %arg12[%select_n3A_117, %dma_wait3A_210] : memref<16x512xf32, #tpu.memory_space<vmem>> -> memref<1x512xf32, #tpu.memory_space<vmem>>
    %dma_wait3A_212 = tpu.memref_squeeze %dma_wait3A_211 : memref<1x512xf32, #tpu.memory_space<vmem>> -> memref<512xf32, #tpu.memory_space<vmem>>
    tpu.wait_dma2 semaphore(%arg14 : memref<!tpu.dma_semaphore, #tpu.memory_space<semaphore_mem>>) src(%dma_wait3A_212 : memref<512xf32, #tpu.memory_space<vmem>>) dst(%dma_wait3A_209 : memref<512xf32, #tpu.memory_space<hbm>>)
    %dma_wait3A_213 = arith.constant 0 : i32
    %dma_wait3A_214 = tpu.memref_slice %arg12[%select_n3A_140, %dma_wait3A_213] : memref<16x512xf32, #tpu.memory_space<vmem>> -> memref<1x512xf32, #tpu.memory_space<vmem>>
    %dma_wait3A_215 = tpu.memref_squeeze %dma_wait3A_214 : memref<1x512xf32, #tpu.memory_space<vmem>> -> memref<512xf32, #tpu.memory_space<vmem>>
    %dma_wait3A_216 = tpu.memref_slice %arg7[%add3A_144, %mul3A_146] : memref<16x2048xf32, #tpu.memory_space<hbm>> -> memref<1x512xf32, #tpu.memory_space<hbm>>
    %dma_wait3A_217 = tpu.memref_squeeze %dma_wait3A_216 : memref<1x512xf32, #tpu.memory_space<hbm>> -> memref<512xf32, #tpu.memory_space<hbm>>
    %dma_wait3A_218 = tpu.memref_slice %arg7[%add3A_144, %mul3A_146] : memref<16x2048xf32, #tpu.memory_space<hbm>> -> memref<1x512xf32, #tpu.memory_space<hbm>>
    %dma_wait3A_219 = tpu.memref_squeeze %dma_wait3A_218 : memref<1x512xf32, #tpu.memory_space<hbm>> -> memref<512xf32, #tpu.memory_space<hbm>>
    %dma_wait3A_220 = arith.constant 0 : i32
    %dma_wait3A_221 = tpu.memref_slice %arg12[%select_n3A_140, %dma_wait3A_220] : memref<16x512xf32, #tpu.memory_space<vmem>> -> memref<1x512xf32, #tpu.memory_space<vmem>>
    %dma_wait3A_222 = tpu.memref_squeeze %dma_wait3A_221 : memref<1x512xf32, #tpu.memory_space<vmem>> -> memref<512xf32, #tpu.memory_space<vmem>>
    tpu.wait_dma2 semaphore(%arg14 : memref<!tpu.dma_semaphore, #tpu.memory_space<semaphore_mem>>) src(%dma_wait3A_222 : memref<512xf32, #tpu.memory_space<vmem>>) dst(%dma_wait3A_219 : memref<512xf32, #tpu.memory_space<hbm>>)
    %dma_wait3A_223 = arith.constant 0 : i32
    %dma_wait3A_224 = tpu.memref_slice %arg12[%select_n3A_163, %dma_wait3A_223] : memref<16x512xf32, #tpu.memory_space<vmem>> -> memref<1x512xf32, #tpu.memory_space<vmem>>
    %dma_wait3A_225 = tpu.memref_squeeze %dma_wait3A_224 : memref<1x512xf32, #tpu.memory_space<vmem>> -> memref<512xf32, #tpu.memory_space<vmem>>
    %dma_wait3A_226 = tpu.memref_slice %arg7[%add3A_167, %mul3A_169] : memref<16x2048xf32, #tpu.memory_space<hbm>> -> memref<1x512xf32, #tpu.memory_space<hbm>>
    %dma_wait3A_227 = tpu.memref_squeeze %dma_wait3A_226 : memref<1x512xf32, #tpu.memory_space<hbm>> -> memref<512xf32, #tpu.memory_space<hbm>>
    %dma_wait3A_228 = tpu.memref_slice %arg7[%add3A_167, %mul3A_169] : memref<16x2048xf32, #tpu.memory_space<hbm>> -> memref<1x512xf32, #tpu.memory_space<hbm>>
    %dma_wait3A_229 = tpu.memref_squeeze %dma_wait3A_228 : memref<1x512xf32, #tpu.memory_space<hbm>> -> memref<512xf32, #tpu.memory_space<hbm>>
    %dma_wait3A_230 = arith.constant 0 : i32
    %dma_wait3A_231 = tpu.memref_slice %arg12[%select_n3A_163, %dma_wait3A_230] : memref<16x512xf32, #tpu.memory_space<vmem>> -> memref<1x512xf32, #tpu.memory_space<vmem>>
    %dma_wait3A_232 = tpu.memref_squeeze %dma_wait3A_231 : memref<1x512xf32, #tpu.memory_space<vmem>> -> memref<512xf32, #tpu.memory_space<vmem>>
    tpu.wait_dma2 semaphore(%arg14 : memref<!tpu.dma_semaphore, #tpu.memory_space<semaphore_mem>>) src(%dma_wait3A_232 : memref<512xf32, #tpu.memory_space<vmem>>) dst(%dma_wait3A_229 : memref<512xf32, #tpu.memory_space<hbm>>)
    %dma_wait3A_233 = arith.constant 0 : i32
    %dma_wait3A_234 = tpu.memref_slice %arg12[%select_n3A_186, %dma_wait3A_233] : memref<16x512xf32, #tpu.memory_space<vmem>> -> memref<1x512xf32, #tpu.memory_space<vmem>>
    %dma_wait3A_235 = tpu.memref_squeeze %dma_wait3A_234 : memref<1x512xf32, #tpu.memory_space<vmem>> -> memref<512xf32, #tpu.memory_space<vmem>>
    %dma_wait3A_236 = tpu.memref_slice %arg7[%add3A_190, %mul3A_192] : memref<16x2048xf32, #tpu.memory_space<hbm>> -> memref<1x512xf32, #tpu.memory_space<hbm>>
    %dma_wait3A_237 = tpu.memref_squeeze %dma_wait3A_236 : memref<1x512xf32, #tpu.memory_space<hbm>> -> memref<512xf32, #tpu.memory_space<hbm>>
    %dma_wait3A_238 = tpu.memref_slice %arg7[%add3A_190, %mul3A_192] : memref<16x2048xf32, #tpu.memory_space<hbm>> -> memref<1x512xf32, #tpu.memory_space<hbm>>
    %dma_wait3A_239 = tpu.memref_squeeze %dma_wait3A_238 : memref<1x512xf32, #tpu.memory_space<hbm>> -> memref<512xf32, #tpu.memory_space<hbm>>
    %dma_wait3A_240 = arith.constant 0 : i32
    %dma_wait3A_241 = tpu.memref_slice %arg12[%select_n3A_186, %dma_wait3A_240] : memref<16x512xf32, #tpu.memory_space<vmem>> -> memref<1x512xf32, #tpu.memory_space<vmem>>
    %dma_wait3A_242 = tpu.memref_squeeze %dma_wait3A_241 : memref<1x512xf32, #tpu.memory_space<vmem>> -> memref<512xf32, #tpu.memory_space<vmem>>
    tpu.wait_dma2 semaphore(%arg14 : memref<!tpu.dma_semaphore, #tpu.memory_space<semaphore_mem>>) src(%dma_wait3A_242 : memref<512xf32, #tpu.memory_space<vmem>>) dst(%dma_wait3A_239 : memref<512xf32, #tpu.memory_space<hbm>>)
    return
  }
}

</mosaic_0001>

<sc_bundles>
// kernel: kernel.3.cloned.1.call-start
scs
__scs_entry_jumppad:
0x0: {  	(pc) =	sbr.rel $0x88, $3  }
0x1: {  	(tag) =	ssettag $0x0;
	lr =	simm.s32 $0x1  }
0x2: {  	[smem:$0x3F9B] =	sst lr;
	_ =	strace $0xD0000000  }
0x3: {  	_ = 	snop  }
0x4: {  	_ = 	snop  }
0x5: {  	_ = 	snop  }
0x6: {  	_ = 	snop  }
0x7: {  	_ = 	snop  }
__scs_overlays_trampoline_lowered:
0x8: {  	[smem:$0x3FAA] =	sst s0  }
0x9: {  	[smem:$0x3FAB] =	sst s1  }
0xa: {  	[smem:$0x3FAC] =	sst s2  }
0xb: {  	[smem:$0x3FAD] =	sst s3  }
0xc: {  	[smem:$0x3FAE] =	sst s4  }
0xd: {  	[smem:$0x3FAF] =	sst s5  }
0xe: {  	[smem:$0x3FB0] =	sst s6  }
0xf: {  	[smem:$0x3FB1] =	sst s7  }
0x10: {  	[smem:$0x3FB2] =	sst s8  }
0x11: {  	[smem:$0x3FB3] =	sst s9;
	s0 =	simm.s32 @!p0 $0x0  }
0x12: {  	s1 =	sld [smem:$0x3F99];
	s0 =	simm.s32 @p0 $0x1  }
0x13: {  	[smem:$0x3FB4] =	sst s0;
	s0 =	simm.s32 @!p1 $0x0  }
0x14: {  	s2 =	sld [smem:$0x3F98];
	s0 =	simm.s32 @p1 $0x1  }
0x15: {  	[smem:$0x3FB5] =	sst s0;
	s0 =	simm.s32 @!p2 $0x0  }
0x16: {  	s3 =	sld [smem:$0x3FDB];
	s0 =	simm.s32 @p2 $0x1  }
0x17: {  	s4 =	simm.s32 $0x1BF5;
	[smem:$0x3FB7] =	sst s0  }
0x18: {  	s0 =	sld [smem:$0x3F9A];
	_ =	swait.ge [sflag:s4], $0x0  }
0x19: {  	s7 =	sld [smem:$0x3F9B]  }
0x1a: {  	s8 =	sadd.s32 $0xFFFFE003, lr  }
0x1b: {  	s9 =	sadd.s32 $0xFFFFFEF7, lr;
	s5 =	simm.s32 $0xFFFFFFFF;
	p2 =	slt.u32 s8, $0xFFFFF086  }
0x1c: {  	p1 =	slt.u32 s9, $0xF7A;
	s5 =	simm.s32 @!p2 $0x0  }
0x1d: {  	s5 =	simm.s32 @p1 $0x1;
	p0 =	seq.s32 s7, s2  }
0x1e: {  	s7 =	smul.u32 @!p0 $0xF7A, s2;
	p2 =	seq.s32 @!p0 s5, $0x0  }
0x1f: {  	s9 =	smul.u32 $0xF7A, s1;
	s8 =	simm.s32 @!p0 $0x1BF5;
	p2 =	por !p2, p0  }
0x20: {  	[sflag:s8] =	ssyncset.s32 @!p0 $0xFFFFF086;
	s6 =	sadd.s32 @!p0 s3, s7;
	s7 =	simm.s32 @!p0 $0x108  }
0x21: {  	s3 =	sadd.s32 s3, s9;
	s6 =	sadd.s32 @!p0 $0x88, s6;
	s7 =	simm.s32 @p2 $0x1082  }
0x22: {  	[simem:s7], [sflag:s8] =	dma.local @!p0 [hbm:s6], $0xF7A  }
0x23: {  	s9 =	sor.u32 $0xD0000000, s2;
	s6 =	simm.s32 $0x108;
	_ =	swait.ge @!p0 [sflag:s8], $0x0  }
0x24: {  	s3 =	sadd.s32 $0x88, s3;
	s6 =	simm.s32 @!p1 $0x1082;
	[sflag:s4] =	ssyncset.s32 $0xFFFFF086  }
0x25: {  	[simem:s6], [sflag:s4] =	dma.local [hbm:s3], $0xF7A  }
0x26: {  	[smem:$0x3F9B] =	sst s1;
	(tag) =	ssettag s2;
	_ =	strace s9  }
0x27: {  	s1 =	sld [smem:$0x3FAB]  }
0x28: {  	s2 =	sld [smem:$0x3FAC]  }
0x29: {  	s4 =	sld [smem:$0x3FAE]  }
0x2a: {  	p0 =	seq.s32 s5, $0x0;
	s5 =	sld [smem:$0x3FAF]  }
0x2b: {  	s6 =	sld [smem:$0x3FB0]  }
0x2c: {  	s7 =	sld [smem:$0x3FB1]  }
0x2d: {  	s3 =	simm.s32 $0x108;
	s8 =	sld [smem:$0x3FB2]  }
0x2e: {  	s3 =	simm.s32 @!p0 $0x1082;
	s9 =	sld [smem:$0x3FB3]  }
0x2f: {  	lr =	sadd.s32 s0, s3;
	s0 =	sld [smem:$0x3FAA]  }
0x30: {  	s3 =	sld [smem:$0x3FAD]  }
0x31: {  	[smem:$0x3FB6] =	sst s10  }
0x32: {  	s10 =	sld [smem:$0x3FB4];
	_ =	sdelay $0x3  }
0x33: {  	p0 =	seq.s32 s10, $0x1;
	s10 =	sld [smem:$0x3FB6];
	_ =	sdelay $0x3  }
0x34: {  	[smem:$0x3FB6] =	sst s10  }
0x35: {  	s10 =	sld [smem:$0x3FB5];
	_ =	sdelay $0x3  }
0x36: {  	p1 =	seq.s32 s10, $0x1;
	s10 =	sld [smem:$0x3FB6];
	_ =	sdelay $0x3  }
0x37: {  	[smem:$0x3FB6] =	sst s10  }
0x38: {  	s10 =	sld [smem:$0x3FB7]  }
0x39: {  	_ = 	snop;
	(pc) =	sbr.ind lr, $3  }
0x3a: {  	_ = 	snop  }
0x3b: {  	_ = 	snop  }
0x3c: {  	p2 =	seq.s32 s10, $0x1;
	s10 =	sld [smem:$0x3FB6]  }
0x3d: {  	_ =	shalt  }
0x3e: {  	_ =	shalt  }
0x3f: {  	_ =	shalt  }
0x40: {  	_ =	shalt  }
0x41: {  	_ =	shalt  }
0x42: {  	_ =	shalt  }
0x43: {  	_ =	shalt  }
0x44: {  	_ =	shalt  }
0x45: {  	_ =	shalt  }
0x46: {  	_ =	shalt  }
0x47: {  	_ =	shalt  }
0x48: {  	_ =	shalt  }
0x49: {  	_ =	shalt  }
0x4a: {  	_ =	shalt  }
0x4b: {  	_ =	shalt  }
0x4c: {  	_ =	shalt  }
0x4d: {  	_ =	shalt  }
0x4e: {  	_ =	shalt  }
0x4f: {  	_ =	shalt  }
0x50: {  	_ =	shalt  }
0x51: {  	_ =	shalt  }
0x52: {  	_ =	shalt  }
0x53: {  	_ =	shalt  }
0x54: {  	_ =	shalt  }
0x55: {  	_ =	shalt  }
0x56: {  	_ =	shalt  }
0x57: {  	_ =	shalt  }
0x58: {  	_ =	shalt  }
0x59: {  	_ =	shalt  }
0x5a: {  	_ =	shalt  }
0x5b: {  	_ =	shalt  }
0x5c: {  	_ =	shalt  }
0x5d: {  	_ =	shalt  }
0x5e: {  	_ =	shalt  }
0x5f: {  	_ =	shalt  }
0x60: {  	_ =	shalt  }
0x61: {  	_ =	shalt  }
0x62: {  	_ =	shalt  }
0x63: {  	_ =	shalt  }
0x64: {  	_ =	shalt  }
0x65: {  	_ =	shalt  }
0x66: {  	_ =	shalt  }
0x67: {  	_ =	shalt  }
0x68: {  	_ =	shalt  }
0x69: {  	_ =	shalt  }
0x6a: {  	_ =	shalt  }
0x6b: {  	_ =	shalt  }
0x6c: {  	_ =	shalt  }
0x6d: {  	_ =	shalt  }
0x6e: {  	_ =	shalt  }
0x6f: {  	_ =	shalt  }
0x70: {  	_ =	shalt  }
0x71: {  	_ =	shalt  }
0x72: {  	_ =	shalt  }
0x73: {  	_ =	shalt  }
0x74: {  	_ =	shalt  }
0x75: {  	_ =	shalt  }
0x76: {  	_ =	shalt  }
0x77: {  	_ =	shalt  }
0x78: {  	_ =	shalt  }
0x79: {  	_ =	shalt  }
0x7a: {  	_ =	shalt  }
0x7b: {  	_ =	shalt  }
0x7c: {  	_ =	shalt  }
0x7d: {  	_ =	shalt  }
0x7e: {  	_ =	shalt  }
0x7f: {  	_ =	shalt  }
0x80: {  	_ =	shalt  }
0x81: {  	_ =	shalt  }
0x82: {  	_ =	shalt  }
0x83: {  	_ =	shalt  }
0x84: {  	_ =	shalt  }
0x85: {  	_ =	shalt  }
0x86: {  	_ =	shalt  }
0x87: {  	_ =	shalt  }
.Lfunc_end0:
.L_simem_size_0:
called_computation_lowered:
.L_overlay_start_0:
0x88: {  	s0 =	sld [smem:$0x3FD9]  }
0x89: {  	s1 =	sld [smem:$0x3FFE];
	_ =	sdelay $0x3  }
0x8a: {  	s0 =	sadd.s32 s1, s0  }
0x8b: {  	[smem:$0x3FC2] =	sst s0  }
0x8c: {  	_ = 	snop  }
0x8d: {  	s0 =	sld [smem:$0x3FC9]  }
0x8e: {  	s16 =	sld [smem:$0x3FC6]  }
0x8f: {  	s2 =	sld [smem:$0x3FC5]  }
0x90: {  	s3 =	sld [smem:$0x3FC4]  }
0x91: {  	s4 =	sld [smem:$0x3FD0];
	(tm) =	ssettm $0x1  }
0x92: {  	s5 =	sld [smem:$0x3FFB];
	_ =	sdelay $0x3  }
0x93: {  	_ =	strace s5  }
0x94: {  	s5 =	sld [smem:$0x3FFC];
	_ =	sdelay $0x3  }
0x95: {  	_ =	strace s5  }
0x96: {  	s5 =	sld [smem:$0x3FFD];
	_ =	sdelay $0x3  }
0x97: {  	_ =	strace s5  }
0x98: {  	_ =	strace $0x8FFFFFFF  }
0x99: {  	s17 =	sld [smem:$0x3FDB];
	_ =	sdelay $0x1  }
0x9a: {  	s6 =	simm.s32 $_scs_section_size  }
0x9b: {  	s7 =	simm.s32 $_size__tile_overlayer_lowered;
	s8 =	simm.s32 $_tile_overlayer_lowered  }
0x9c: {  	s20 =	simm.s32 $0x1BFF;
	s19 =	sshll.u32 s8, $0x1;
	s5 =	sadd.s32 s6, s17  }
0x9d: {  	s9 =	simm.s32 $0x0;
	s18 =	sshll.u32 s7, $0x1;
	s7 =	sadd.s32 s19, s5  }
0x9e: {  	[timem:s9], [sflag:s20] =	dma.local [hbm:s7], s18  }
0x9f: {  	_ =	swait.ge [sflag:s20], s18  }
0xa0: {  	s6 =	ssub.s32 $0x0, s18;
	[sflag:s20] =	ssyncset.done $0x0  }
0xa1: {  	[sflag:s20] =	ssyncadd.s32 s6;
	_ =	sdelay $0x1  }
0xa2: {  	s21 =	simm.s32 $0x1B8B  }
0xa3: {  	_ =	swait.ge [sflag:s21], $0x1  }
0xa4: {  	[sflag:s21] =	ssyncset.done $0x0  }
0xa5: {  	s23 =	simm.s32 $0x1B8E;
	s22 =	sld [smem:$0x3FFE];
	[sflag:s21] =	ssyncadd.s32 $0xFFFFFFFF  }
0xa6: {  	s24 =	simm.s32 $execute0_lowered;
	[smem:$0x3FD2] =	sst s23  }
0xa7: {  	s7 =	sshll.u32 s24, $0x1;
	_ =	strace $0x80000046;
	[dreg:$0x1] =	wrdreg $0xFFFFFFFF  }
0xa8: {  	s25 =	simm.s32 $_size_execute0_lowered;
	s5 =	sadd.s32 s5, s7;
	[dreg:$0x0] =	wrdreg $0x0  }
0xa9: {  	s7 =	sshll.u32 s25, $0x1;
	[dreg:$0x2] =	wrdreg s5  }
0xaa: {  	[dreg:$0x3] =	wrdreg s7  }
0xab: {  	[dreg:$0x4] =	wrdreg $0xC0  }
0xac: {  	_ =	task [dreg:s9], $0x5FFFF  }
0xad: {  	[dreg:$0x1] =	wrdreg $0xFFFFFFFF  }
0xae: {  	[dreg:$0x0] =	wrdreg $0x60  }
0xaf: {  	[dreg:$0x2] =	wrdreg s0  }
0xb0: {  	[dreg:$0x3] =	wrdreg s22  }
0xb1: {  	[dreg:$0x4] =	wrdreg s16  }
0xb2: {  	[dreg:$0x5] =	wrdreg s2  }
0xb3: {  	[dreg:$0x6] =	wrdreg s3  }
0xb4: {  	[dreg:$0x7] =	wrdreg s4  }
0xb5: {  	[dreg:$0x8] =	wrdreg $0x9  }
0xb6: {  	_ =	task.clear_ibuf [dreg:s9], $0x9FFFF;
	_ =	strace $0x90000046  }
0xb7: {  	s26 =	simm.s32 $0x9;
	_ =	strace $0x80000048  }
0xb8: {  	_ =	swait.ge [sflag:s26], $0x1  }
0xb9: {  	[sflag:s26] =	ssyncadd.s32 $0xFFFFFFFF  }
0xba: {  	_ =	strace $0x90000048  }
0xbb: {  	_ =	sfence  }
0xbc: {  	s28 =	sld [smem:$0x0];
	_ =	sdelay $0x1  }
0xbd: {  	s29 =	srdreg.scid  }
0xbe: {  	s30 =	sshll.u32 s29, $0xD;
	s31 =	sshrl.u32 s29, $0x2  }
0xbf: {  	s1 =	sand.u32 $0x1, s29;
	s2 =	sand.u32 $0x4000, s30;
	s0 =	sadd.s32 s31, s28  }
0xc0: {  	s1 =	sor.u32 s2, s1;
	s0 =	sshll.u32 s0, $0x11  }
0xc1: {  	s0 =	sor.u32 s0, s1  }
0xc2: {  	s0 =	sadd.s32 $0x8F2B, s0  }
0xc3: {  	[sflag:s0] =	ssyncadd.remote.s32 $0x1  }
0xc4: {  	_ =	sfence.sel $0xFFFF  }
0xc5: {  	[dreg:$0x0] =	wrdreg $0xFFFFFFFF;
	(pc) =	sbr.abs _section_cstart, $3  }
0xc6: {  	[dreg:$0x1] =	wrdreg $0xFFFFFFFF  }
0xc7: {  	_ =	task.clear_ibuf [dreg:s9], $0x2FFFF;
	_ =	strace $0x9FFFFFFF  }
0xc8: {  	(tm) =	ssettm $0x7FFFFFFF  }
0xc9: {  	_ =	shalt  }
tec
execute0_lowered:
.L_overlay_start_1:
0x0: {  	(tag) =	ssettag $0x1  }
0x1: {  	s3 =	rddreg [dreg:$0x0]  }
0x2: {  	s5 =	rddreg [dreg:$0x1]  }
0x3: {  	s2 =	rddreg [dreg:$0x2]  }
0x4: {  	s6 =	rddreg [dreg:$0x3]  }
0x5: {  	s7 =	rddreg [dreg:$0x4]  }
0x6: {  	s4 =	rddreg [dreg:$0x5];
	s1 =	simm.s32 $0x0  }
0x7: {  	[smem:$0x7FF] =	sst s1  }
0x8: {  	s0 =	rddreg [dreg:$0x6];
	_ =	strace $0x80000047  }
0x9: {  	[tilespmem:s1], [sflag:$0x1] =	stream.linear.gather [hbm4b:s2+s1], $0x80, $0x38;
	[tilespmem:$0x2200] =	vst v63  }
0xa: {  	s8 =	simm.s32 $0x80  }
0xb: {  	[tilespmem:s8], [sflag:$0x1] =	stream.linear.gather [hbm4b:s6+s1], $0x80, $0x38;
	[tilespmem:$0x2200] =	vst v63  }
0xc: {  	s29 =	simm.s32 $0x1200  }
0xd: {  	[tilespmem:s29], [sflag:$0x2] =	stream.linear.gather [hbm4b:s7+s1], $0x80, $0x38;
	[tilespmem:$0x2200] =	vst v63  }
0xe: {  	s31 =	simm.s32 $0x1600;
	s30 =	sadd.s32 $0x10, s7  }
0xf: {  	[tilespmem:s31], [sflag:$0x2] =	stream.linear.gather [hbm4b:s30+s1], $0x80, $0x38;
	[tilespmem:$0x2200] =	vst v63  }
0x10: {  	s9 =	simm.s32 $0x1A00;
	s6 =	sadd.s32 $0x20, s7  }
0x11: {  	[tilespmem:s9], [sflag:$0x2] =	stream.linear.gather [hbm4b:s6+s1], $0x80, $0x38;
	[tilespmem:$0x2200] =	vst v63  }
0x12: {  	s11 =	simm.s32 $0x1E00;
	s12 =	simm.s32 $0x1;
	s10 =	sadd.s32 $0x30, s7  }
0x13: {  	[tilespmem:s11], [sflag:$0x2] =	stream.linear.gather [hbm4b:s10+s1], $0x80, $0x38;
	[tilespmem:$0x2200] =	vst v63  }
0x14: {  	_ =	swait.ge [sflag:s12], $0x80  }
0x15: {  	[sflag:s12] =	ssyncset.done $0x0  }
0x16: {  	s2 =	stileid.u32;
	[sflag:s12] =	ssyncadd.s32 $0xFFFFFF80  }
0x17: {  	s13 =	sand.u32 $0x3, s2;
	_ =	swait.ge [sflag:s12], $0x80  }
0x18: {  	p0 =	seq.s32 s13, $0x3;
	[sflag:s12] =	ssyncset.done $0x0  }
0x19: {  	s8 =	simm.s32 @!p0 $0x0;
	[sflag:s12] =	ssyncadd.s32 $0xFFFFFF80  }
0x1a: {  	v0 =	vld [tilespmem:s8+$0x0];
	_ =	sdelay $0x2  }
0x1b: {  	s9 =	simm.s32 $0x10;
	s8 =	sadd.s32 $0xFFFFFFFD, s13  }
0x1c: {  	v1 =	vlaneseq.u32;
	s9 =	simm.s32 @!p0 $0x0;
	s8 =	simm.s32 @p0 $0xFFFFFFFF  }
0x1d: {  	v3 =	vmul.u32 $0x800, v1;
	v2 =	vmov s9;
	v0 =	vadd.s32 s8, v0  }
0x1e: {  	v2 =	vshll.u32 v2, $0xB;
	vm0 =	vgt.s32 v0, $0x0  }
0x1f: {  	v2 =	vor.u32 v3, v2;
	v59 =	vnsel vm0, $0x0, v0  }
0x20: {  	v2 =	vadd.s32 v2, v59;
	_ =	sdelay $0x3  }
0x21: {  	vm15 =	vmmov $0xffff;
	s14 =	simm.s32 $0x100;
	s5 =	sadd.s32 $0x400, s5  }
0x22: {  	[tilespmem:s14], [sflag:$0x1] =	stream.indirect_vreg.gather [hbm4b:s5+s1], $0x1, v2, vm15, $0xb8;
	[tilespmem:$0x2200] =	vst v63  }
0x23: {  	_ =	swait.ge [sflag:s12], $0x10  }
0x24: {  	[sflag:s12] =	ssyncset.done $0x0  }
0x25: {  	[sflag:s12] =	ssyncadd.s32 $0xFFFFFFF0  }
0x26: {  	v60 =	vld [tilespmem:$0x100];
	_ =	sdelay $0x2  }
0x27: {  	v61 =	vand.u32 $0x3, v1;
	s15 =	sand.u32 $0xC, s2  }
0x28: {  	v3 =	vor.u32 s15, v61  }
0x29: {  	v2 =	vperm.xlane v60, v3  }
0x2a: {  	v4 =	vshll.u32 v3, $0xB  }
0x2b: {  	v2 =	vadd.s32 v4, v2  }
0x2c: {  	[tilespmem:$0x180] =	vst v2  }
0x2d: {  	v2 =	vld.msk [tilespmem:$0x180], $0xff;
	_ =	sdelay $0x4  }
0x2e: {  	v62 =	vshll.u32 v2, $0x2  }
0x2f: {  	v2 =	vand.u32 $0x7, v2;
	v4 =	vand.u32 $0xFFFFFFE0, v62  }
0x30: {  	v63 =	vand.u32 $0x7, v1;
	v1 =	vshrl.u32 v1, $0x3;
	v2 =	vor.u32 v2, v4  }
0x31: {  	v1 =	vmul.u32 $0x8, v1;
	v2 =	vperm.xlane v2, v63;
	_ =	sdelay $0x1  }
0x32: {  	v1 =	vadd.s32 v1, v2;
	_ =	sdelay $0x3  }
0x33: {  	s16 =	simm.s32 $0x200  }
0x34: {  	[tilespmem:s16], [sflag:$0x1] =	stream.indirect_vreg.gather [hbm4b:s3+s1], $0x80, v1, vm15, $0xb8;
	[tilespmem:$0x2200] =	vst v63  }
0x35: {  	s17 =	simm.s32 $0xA00;
	s3 =	sadd.s32 $0x100, s3  }
0x36: {  	[tilespmem:s17], [sflag:$0x1] =	stream.indirect_vreg.gather [hbm4b:s3+s1], $0x80, v1, vm15, $0xb8;
	[tilespmem:$0x2200] =	vst v63  }
0x37: {  	_ =	swait.ge [sflag:s12], $0x1000  }
0x38: {  	[sflag:s12] =	ssyncset.done $0x0  }
0x39: {  	v0 =	vperm.xlane v0, v3;
	s3 =	simm.s32 $0x2;
	[sflag:s12] =	ssyncadd.s32 $0xFFFFF000  }
0x3a: {  	_ =	swait.ge [sflag:s3], $0x200  }
0x3b: {  	(v2sf) =	vpush v0, $0x0  }
0x3c: {  	(v2sf) =	vpush v0, $0x1;
	_ =	sdelay $0x9  }
0x3d: {  	s19 =	sshll.u32 s2, $0x4  }
0x3e: {  	s20 =	sshll.u32 s2, $0x8;
	s18 =	sshll.u32 s13, $0x9;
	s6 =	sand.u32 $0x40, s19  }
0x3f: {  	s7 =	sand.u32 $0x800, s20;
	s5 =	sor.u32 s18, s6  }
0x40: {  	s5 =	sor.u32 s7, s5  }
0x41: {  	s4 =	sadd.s32 s4, s5;
	s5 =	simm.s32 $0x8;
	s21 =	spop (v2sf)  }
0x42: {  	s25 =	sadd.s32 $0x80, s4;
	s22 =	sshrl.u32 s21, $0x13;
	s29 =	spop (v2sf)  }
0x43: {  	[sflag:s3] =	ssyncset.done $0x0;
	(v2sf) =	vpush v0, $0x2;
	s6 =	sand.u32 $0x1000, s22;
	p0 =	slt.s32 s29, $0x0  }
0x44: {  	[sflag:s3] =	ssyncadd.s32 $0xFFFFFE00;
	s23 =	sor.u32 $0x200, s6;
	s5 =	simm.s32 @!p0 $0x1  }
0x45: {  	[hbm4b:s4+s1] =	stream.linear.scatter [tilespmem:s23], [sflag:$0x2], $0x80, $0x38;
	[tilespmem:$0x2200] =	vst v63  }
0x46: {  	s24 =	sor.u32 $0x600, s6;
	s31 =	sshll.u32 s5, $0x9;
	s5 =	sshll.u32 s5, $0x7  }
0x47: {  	[hbm4b:s25+s1] =	stream.linear.scatter [tilespmem:s24], [sflag:$0x2], $0x80, $0x38;
	[tilespmem:$0x2200] =	vst v63  }
0x48: {  	s28 =	sadd.s32 $0x100, s4;
	s26 =	sor.u32 $0xA00, s6;
	s5 =	sor.u32 s5, s31  }
0x49: {  	[hbm4b:s28+s1] =	stream.linear.scatter [tilespmem:s26], [sflag:$0x2], $0x80, $0x38;
	[tilespmem:$0x2200] =	vst v63  }
0x4a: {  	s30 =	sadd.s32 $0x180, s4;
	s6 =	sor.u32 $0xE00, s6;
	s5 =	sand.u32 $0x1080, s5  }
0x4b: {  	[hbm4b:s30+s1] =	stream.linear.scatter [tilespmem:s6], [sflag:$0x2], $0x80, $0x38;
	[tilespmem:$0x2200] =	vst v63  }
0x4c: {  	s7 =	sadd.s32 $0x10, s4;
	s8 =	sor.u32 $0x200, s5  }
0x4d: {  	[hbm4b:s7+s1] =	stream.linear.scatter [tilespmem:s8], [sflag:$0x2], $0x80, $0x38;
	[tilespmem:$0x2200] =	vst v63  }
0x4e: {  	s10 =	sadd.s32 $0x90, s4;
	s9 =	sor.u32 $0x600, s5  }
0x4f: {  	[hbm4b:s10+s1] =	stream.linear.scatter [tilespmem:s9], [sflag:$0x2], $0x80, $0x38;
	[tilespmem:$0x2200] =	vst v63  }
0x50: {  	s12 =	sadd.s32 $0x110, s4;
	s11 =	sor.u32 $0xA00, s5  }
0x51: {  	[hbm4b:s12+s1] =	stream.linear.scatter [tilespmem:s11], [sflag:$0x2], $0x80, $0x38;
	[tilespmem:$0x2200] =	vst v63  }
0x52: {  	s13 =	sadd.s32 $0x190, s4;
	s5 =	sor.u32 $0xE00, s5;
	s14 =	spop (v2sf);
	(v2sf) =	vpush v0, $0x3  }
0x53: {  	[hbm4b:s13+s1] =	stream.linear.scatter [tilespmem:s5], [sflag:$0x2], $0x80, $0x38;
	[tilespmem:$0x2200] =	vst v63  }
0x54: {  	p0 =	slt.s32 s14, $0x0;
	s5 =	simm.s32 $0x8  }
0x55: {  	s5 =	simm.s32 @!p0 $0x2  }
0x56: {  	s15 =	sshll.u32 s5, $0x9;
	s5 =	sshll.u32 s5, $0x7  }
0x57: {  	s5 =	sor.u32 s5, s15  }
0x58: {  	s5 =	sand.u32 $0x1100, s5  }
0x59: {  	s16 =	sadd.s32 $0x20, s4;
	s17 =	sor.u32 $0x200, s5  }
0x5a: {  	[hbm4b:s16+s1] =	stream.linear.scatter [tilespmem:s17], [sflag:$0x2], $0x80, $0x38;
	[tilespmem:$0x2200] =	vst v63  }
0x5b: {  	s19 =	sadd.s32 $0xA0, s4;
	s18 =	sor.u32 $0x600, s5  }
0x5c: {  	[hbm4b:s19+s1] =	stream.linear.scatter [tilespmem:s18], [sflag:$0x2], $0x80, $0x38;
	[tilespmem:$0x2200] =	vst v63  }
0x5d: {  	s21 =	sadd.s32 $0x120, s4;
	s20 =	sor.u32 $0xA00, s5  }
0x5e: {  	[hbm4b:s21+s1] =	stream.linear.scatter [tilespmem:s20], [sflag:$0x2], $0x80, $0x38;
	[tilespmem:$0x2200] =	vst v63  }
0x5f: {  	s22 =	sadd.s32 $0x1A0, s4;
	s5 =	sor.u32 $0xE00, s5  }
0x60: {  	[hbm4b:s22+s1] =	stream.linear.scatter [tilespmem:s5], [sflag:$0x2], $0x80, $0x38;
	[tilespmem:$0x2200] =	vst v63  }
0x61: {  	s23 =	spop (v2sf)  }
0x62: {  	s6 =	simm.s32 $0x8;
	p0 =	slt.s32 s23, $0x0  }
0x63: {  	s6 =	simm.s32 @!p0 $0x3  }
0x64: {  	s24 =	sshll.u32 s6, $0x9;
	s6 =	sshll.u32 s6, $0x7  }
0x65: {  	s5 =	sor.u32 s6, s24  }
0x66: {  	s5 =	sand.u32 $0x1180, s5  }
0x67: {  	s25 =	sadd.s32 $0x30, s4;
	s26 =	sor.u32 $0x200, s5  }
0x68: {  	[hbm4b:s25+s1] =	stream.linear.scatter [tilespmem:s26], [sflag:$0x2], $0x80, $0x38;
	[tilespmem:$0x2200] =	vst v63  }
0x69: {  	s29 =	sadd.s32 $0xB0, s4;
	s28 =	sor.u32 $0x600, s5  }
0x6a: {  	[hbm4b:s29+s1] =	stream.linear.scatter [tilespmem:s28], [sflag:$0x2], $0x80, $0x38;
	[tilespmem:$0x2200] =	vst v63  }
0x6b: {  	s31 =	sadd.s32 $0x130, s4;
	s30 =	sor.u32 $0xA00, s5  }
0x6c: {  	[hbm4b:s31+s1] =	stream.linear.scatter [tilespmem:s30], [sflag:$0x2], $0x80, $0x38;
	[tilespmem:$0x2200] =	vst v63  }
0x6d: {  	s4 =	sadd.s32 $0x1B0, s4;
	s5 =	sor.u32 $0xE00, s5  }
0x6e: {  	[hbm4b:s4+s1] =	stream.linear.scatter [tilespmem:s5], [sflag:$0x2], $0x80, $0x38;
	[tilespmem:$0x2200] =	vst v63  }
0x6f: {  	_ =	swait.ge [sflag:s3], $0x200  }
0x70: {  	[sflag:s3] =	ssyncset.done $0x0  }
0x71: {  	[sflag:s3] =	ssyncadd.s32 $0xFFFFFE00  }
0x72: {  	_ =	swait.ge [sflag:s3], $0x200  }
0x73: {  	[sflag:s3] =	ssyncset.done $0x0  }
0x74: {  	[sflag:s3] =	ssyncadd.s32 $0xFFFFFE00  }
0x75: {  	_ =	swait.ge [sflag:s3], $0x200  }
0x76: {  	[sflag:s3] =	ssyncset.done $0x0  }
0x77: {  	[sflag:s3] =	ssyncadd.s32 $0xFFFFFE00  }
0x78: {  	_ =	swait.ge [sflag:s3], $0x200  }
0x79: {  	[sflag:s3] =	ssyncset.done $0x0  }
0x7a: {  	[sflag:s3] =	ssyncadd.s32 $0xFFFFFE00  }
0x7b: {  	_ =	sfence.sel $0x180000  }
0x7c: {  	[bflag:$0x0] =	sbarrier.arrive $0xFFFF  }
0x7d: {  	p0 =	sne.s32 s2, $0x0;
	_ =	strace $0x90000047  }
0x7e: {  	s0 =	sadd.s32 @!p0 $0x100000, s0;
	[bflag:$0x2] =	sbarrier.arrive $0xFFFF  }
0x7f: {  	[sflag:s0] =	ssyncadd.tile.s32 @!p0 $0x1;
	_ =	shalt  }
.Lfunc_end2:
_tile_overlayer_lowered:
.L_overlay_start_2:
0x80: {  	(tag) =	ssettag $0x2  }
0x81: {  	s0 =	rddreg [dreg:$0x0];
	s2 =	stileid.u32  }
0x82: {  	s1 =	rddreg [dreg:$0x1];
	p0 =	sne.s32 s2, $0x0  }
0x83: {  	s3 =	rddreg [dreg:$0x2];
	[bflag:$0x3] =	sbarrier.arrive $0xFFFF;
	s2 =	simm.s32 @!p0 $0x1C03  }
0x84: {  	[timem:s3], [sflag:s2] =	dma.local @!p0 [hbm:s0], s1  }
0x85: {  	s0 =	simm.s32 @!p0 $0x3  }
0x86: {  	_ =	swait.ge @!p0 [sflag:s0], s1  }
0x87: {  	s1 =	ssub.s32 @!p0 $0x0, s1;
	[sflag:s0] =	ssyncset.done @!p0 $0x0  }
0x88: {  	[sflag:s0] =	ssyncadd.s32 @!p0 s1  }
0x89: {  	[bflag:$0x3] =	sbarrier.arrive $0xFFFF  }
0x8a: {  	_ =	shalt  }

</sc_bundles>
